<compile_context>
chip_gen: v7x
topology: tpu7x:2x2x1
jax: 0.10.2.dev20260603
libtpu: 0.0.44.dev20260713+nightly
codegen_flags: <defaults>
</compile_context>

<pallas_src>
import functools

import jax
import jax.numpy as jnp
from jax import lax
from jax.experimental import pallas as pl
from jax.experimental.pallas import tpu as pltpu
from jax.experimental.pallas import tpu_sc as plsc

K_ROWS = 100000
NZ = 64
PADW = 128

_BK = 10000
_NB = K_ROWS // _BK


def _sigma_body(u_ref, w_ref, o_ref, t_acc, g_acc):
    i = pl.program_id(0)

    @pl.when(i == 0)
    def _init():
        t_acc[...] = jnp.zeros_like(t_acc)
        g_acc[...] = jnp.zeros_like(g_acc)

    wb = w_ref[...]
    ub = u_ref[...]
    t_acc[...] += jnp.sum(wb * ub, axis=0, keepdims=True)
    g_acc[...] += lax.dot_general(
        wb, wb, (((0,), (0,)), ((), ())),
        preferred_element_type=jnp.float32,
        precision=lax.Precision.HIGHEST)

    @pl.when(i == _NB - 1)
    def _fin():
        t = t_acc[...]
        g = g_acc[...]
        v = t / (jnp.sqrt(jnp.sum(t * t)) + 1e-12)
        gv = lax.dot_general(
            v, g, (((1,), (0,)), ((), ())),
            preferred_element_type=jnp.float32,
            precision=lax.Precision.HIGHEST)
        sig2 = jnp.sum(gv * v[0, :])
        o_ref[0, 0] = 1.0 / jnp.sqrt(sig2)


def _recip_sigma(weight, u):
    return pl.pallas_call(
        _sigma_body,
        grid=(_NB,),
        in_specs=[
            pl.BlockSpec((_BK, 1), lambda i: (i, 0)),
            pl.BlockSpec((_BK, NZ), lambda i: (i, 0)),
        ],
        out_specs=pl.BlockSpec(memory_space=pltpu.SMEM),
        out_shape=jax.ShapeDtypeStruct((1, 1), jnp.float32),
        scratch_shapes=[
            pltpu.VMEM((1, NZ), jnp.float32),
            pltpu.VMEM((NZ, NZ), jnp.float32),
        ],
        compiler_params=pltpu.CompilerParams(
            dimension_semantics=("arbitrary",)),
    )(u.reshape(K_ROWS, 1), weight)


_NQ = 4096
_SEQ = 50


def _pad_body(w_ref, o_ref):
    blk = w_ref[...]
    o_ref[...] = jnp.concatenate([blk, jnp.zeros_like(blk)], axis=1)


def _pad(weight):
    return pl.pallas_call(
        _pad_body,
        grid=(_NB,),
        in_specs=[pl.BlockSpec((_BK, NZ), lambda i: (i, 0))],
        out_specs=pl.BlockSpec((_BK, PADW), lambda i: (i, 0)),
        out_shape=jax.ShapeDtypeStruct((K_ROWS, PADW), jnp.float32),
    )(weight)


_BF = 6400
_NF = 4096 * 50 // _BF


def _slice_body(r_ref, g_ref, o_ref):
    o_ref[...] = g_ref[:, :NZ] * r_ref[0, 0]


def _slice_scale(gathered, recip):
    return pl.pallas_call(
        _slice_body,
        grid=(_NF,),
        in_specs=[
            pl.BlockSpec(memory_space=pltpu.SMEM),
            pl.BlockSpec((_BF, PADW), lambda i: (i, 0)),
        ],
        out_specs=pl.BlockSpec((_BF, NZ), lambda i: (i, 0)),
        out_shape=jax.ShapeDtypeStruct((4096 * 50, NZ), jnp.float32),
    )(recip, gathered)


_NC = 2
_NS = 16
_NW = _NC * _NS
_B_TOTAL = 4096 * 50
_PER_W = _B_TOTAL // _NW
_RCH = 128
_NG = 5
_R = _RCH * _NG
_CH = _PER_W // _R
_IROWS_W = _PER_W // _RCH


def _gather_body(wpad_hbm, idx_hbm, out_hbm, idx_v, rows_v, sem):
    c = lax.axis_index("c")
    s = lax.axis_index("s")
    wid = s * _NC + c
    rbase = wid * _PER_W

    pltpu.sync_copy(idx_hbm.at[wid], idx_v)

    def chunk(i, carry):
        roff = rbase + i * _R
        cps = [
            pltpu.async_copy(
                wpad_hbm.at[idx_v.at[i * _NG + j]],
                rows_v.at[pl.ds(j * _RCH, _RCH)],
                sem)
            for j in range(_NG)
        ]
        for cp in cps:
            cp.wait()
        pltpu.sync_copy(rows_v, out_hbm.at[pl.ds(roff, _R)])
        return carry

    lax.fori_loop(0, _CH, chunk, 0)


def _gather(wpad, idx2d):
    mesh = plsc.VectorSubcoreMesh(
        core_axis_name="c", subcore_axis_name="s",
        num_cores=_NC, num_subcores=_NS)
    fn = pl.kernel(
        _gather_body,
        out_type=jax.ShapeDtypeStruct((_B_TOTAL, PADW), jnp.float32),
        mesh=mesh,
        scratch_types=[
            pltpu.VMEM((_IROWS_W, _RCH), jnp.int32),
            pltpu.VMEM((_R, PADW), jnp.float32),
            pltpu.SemaphoreType.DMA,
        ],
    )
    return fn(wpad, idx2d)


def kernel(weight, u, k):
    ki = k.astype(jnp.int32)
    wpad = _pad(weight)
    idx2d = ki.reshape(_NW, _IROWS_W, _RCH)
    g = _gather(wpad, idx2d)
    recip = _recip_sigma(weight, u)
    out2d = _slice_scale(g, recip)
    return out2d.reshape(_NQ, _SEQ, NZ)

# --- scband reference (transcript-rebuilt; emitter-appended) ---
"""Pipeline reference for scband-embedding-net-14018773254791 (READ-ONLY COPY).

The authoritative reference and input builder live on the scoring server;
editing this copy changes nothing except your own understanding.
"""

import jax, jax.numpy as jnp
import numpy as np

K = 100000
NZ = 64


def setup_inputs(seed: int = 0) -> dict:
    key = jax.random.key(seed)
    k1, k2, k3 = jax.random.split(key, 3)
    # xavier_uniform init of the embedding weight [K, NZ]
    limit = float(np.sqrt(6.0 / (K + NZ)))
    weight = jax.random.uniform(k1, (K, NZ), minval=-limit, maxval=limit, dtype=jnp.float32)
    # spectral_norm power-iteration buffer u (as in torch.nn.utils.spectral_norm)
    u = jax.random.normal(k3, (K,), dtype=jnp.float32)
    u = u / (jnp.linalg.norm(u) + 1e-12)
    k = jax.random.randint(k2, (4096, 50), 0, K, dtype=jnp.int64)
    return {"weight": weight, "u": u, "k": k}


def _l2_normalize(x, eps=1e-12):
    return x / (jnp.linalg.norm(x) + eps)


def reference(weight, u, k):
    # torch spectral_norm: one power iteration (no_grad), then sigma = u^T W v
    v = _l2_normalize(weight.T @ u)
    u_new = _l2_normalize(weight @ v)
    sigma = jnp.dot(u_new, weight @ v)
    w_sn = weight / sigma
    # embedding lookup
    return jnp.take(w_sn, k, axis=0)

if __name__ == "__main__":
    import jax
    _d = setup_inputs()
    print(jax.jit(kernel)(*tuple(_d.values())))

</pallas_src>

<mosaic_0001>
#map = affine_map<(d0, d1) -> (0, 0)>
#map1 = affine_map<(d0, d1) -> (0, 0, 0)>
module attributes {stable_mosaic.version = 14 : i64} {
  func.func @_gather_body(%arg0: i32, %arg1: i32, %arg2: memref<100000x128xf32, #tpu.memory_space<hbm>>, %arg3: memref<32x50x128xi32, #tpu.memory_space<hbm>>, %arg4: memref<204800x128xf32, #tpu.memory_space<hbm>>, %arg5: memref<50x128xi32, #tpu.memory_space<vmem>>, %arg6: memref<640x128xf32, #tpu.memory_space<vmem>>, %arg7: memref<!tpu.dma_semaphore, #tpu.memory_space<semaphore_mem>>) attributes {dimension_semantics = [#tpu.dimension_semantics<core_parallel>, #tpu.dimension_semantics<subcore_parallel>], iteration_bounds = array<i64: 2, 16>, scalar_prefetch = 0 : i64, scratch_operands = 3 : i64, tpu.core_type = #tpu.core_type<sc_vector_subcore>, window_params = [{transform_indices = #map}, {transform_indices = #map1}, {transform_indices = #map}]} {
    %mul3A = arith.constant 2 : i32
    %mul3A_0 = arith.muli %arg1, %mul3A : i32
    %add3A = arith.addi %mul3A_0, %arg0 : i32
    %mul3A_1 = arith.constant 6400 : i32
    %mul3A_2 = arith.muli %add3A, %mul3A_1 : i32
    "tpu.region"() ({
      %run_scoped3A = tpu.sem_alloc : memref<!tpu.dma_semaphore, #tpu.memory_space<semaphore_mem>>
      %dma_start3A = arith.constant 0 : i32
      %dma_start3A_8 = arith.constant 0 : i32
      %dma_start3A_9 = tpu.memref_slice %arg3[%add3A, %dma_start3A, %dma_start3A_8] : memref<32x50x128xi32, #tpu.memory_space<hbm>> -> memref<1x50x128xi32, #tpu.memory_space<hbm>>
      %dma_start3A_10 = tpu.memref_squeeze %dma_start3A_9 : memref<1x50x128xi32, #tpu.memory_space<hbm>> -> memref<50x128xi32, #tpu.memory_space<hbm>>
      %dma_start3A_11 = arith.constant 0 : i32
      %dma_start3A_12 = arith.constant 0 : i32
      %dma_start3A_13 = tpu.memref_slice %arg3[%add3A, %dma_start3A_11, %dma_start3A_12] : memref<32x50x128xi32, #tpu.memory_space<hbm>> -> memref<1x50x128xi32, #tpu.memory_space<hbm>>
      %dma_start3A_14 = tpu.memref_squeeze %dma_start3A_13 : memref<1x50x128xi32, #tpu.memory_space<hbm>> -> memref<50x128xi32, #tpu.memory_space<hbm>>
      tpu.enqueue_dma source(%dma_start3A_14 : memref<50x128xi32, #tpu.memory_space<hbm>>) target(%arg5 : memref<50x128xi32, #tpu.memory_space<vmem>>) target_semaphore(%run_scoped3A : memref<!tpu.dma_semaphore, #tpu.memory_space<semaphore_mem>>)
      %dma_wait3A = arith.constant 0 : i32
      %dma_wait3A_15 = arith.constant 0 : i32
      %dma_wait3A_16 = tpu.memref_slice %arg3[%add3A, %dma_wait3A, %dma_wait3A_15] : memref<32x50x128xi32, #tpu.memory_space<hbm>> -> memref<1x50x128xi32, #tpu.memory_space<hbm>>
      %dma_wait3A_17 = tpu.memref_squeeze %dma_wait3A_16 : memref<1x50x128xi32, #tpu.memory_space<hbm>> -> memref<50x128xi32, #tpu.memory_space<hbm>>
      %dma_wait3A_18 = arith.constant 0 : i32
      %dma_wait3A_19 = arith.constant 0 : i32
      %dma_wait3A_20 = tpu.memref_slice %arg3[%add3A, %dma_wait3A_18, %dma_wait3A_19] : memref<32x50x128xi32, #tpu.memory_space<hbm>> -> memref<1x50x128xi32, #tpu.memory_space<hbm>>
      %dma_wait3A_21 = tpu.memref_squeeze %dma_wait3A_20 : memref<1x50x128xi32, #tpu.memory_space<hbm>> -> memref<50x128xi32, #tpu.memory_space<hbm>>
      tpu.wait_dma2 semaphore(%run_scoped3A : memref<!tpu.dma_semaphore, #tpu.memory_space<semaphore_mem>>) src(%dma_wait3A_21 : memref<50x128xi32, #tpu.memory_space<hbm>>) dst(%arg5 : memref<50x128xi32, #tpu.memory_space<vmem>>)
      tpu.yield
    }) : () -> ()
    %scan3A = arith.constant 0 : i32
    %scan3A_3 = arith.constant 0 : i32
    %scan3A_4 = arith.constant 10 : i32
    %scan3A_5 = arith.addi %scan3A_3, %scan3A_4 : i32
    %scan3A_6 = arith.constant 1 : i32
    scf.for %scan3A_8 = %scan3A_3 to %scan3A_5 step %scan3A_6  : i32 {
      %mul3A_9 = arith.constant 640 : i32
      %mul3A_10 = arith.muli %scan3A_8, %mul3A_9 : i32
      %add3A_11 = arith.addi %mul3A_2, %mul3A_10 : i32
      %mul3A_12 = arith.constant 5 : i32
      %mul3A_13 = arith.muli %scan3A_8, %mul3A_12 : i32
      %add3A_14 = arith.constant 0 : i32
      %add3A_15 = arith.addi %mul3A_13, %add3A_14 : i32
      %dma_start3A = arith.constant 0 : i32
      %dma_start3A_16 = arith.constant 0 : i32
      %dma_start3A_17 = tpu.memref_slice %arg6[%dma_start3A, %dma_start3A_16] : memref<640x128xf32, #tpu.memory_space<vmem>> -> memref<128x128xf32, #tpu.memory_space<vmem>>
      %dma_start3A_18 = arith.constant 0 : i32
      %dma_start3A_19 = tpu.memref_slice %arg5[%add3A_15, %dma_start3A_18] : memref<50x128xi32, #tpu.memory_space<vmem>> -> memref<1x128xi32, #tpu.memory_space<vmem>>
      %dma_start3A_20 = tpu.memref_squeeze %dma_start3A_19 : memref<1x128xi32, #tpu.memory_space<vmem>> -> memref<128xi32, #tpu.memory_space<vmem>>
      %dma_start3A_21 = arith.constant 0 : i32
      %dma_start3A_22 = arith.constant 0 : i32
      %dma_start3A_23 = tpu.memref_slice %arg2[%dma_start3A_21, %dma_start3A_22] : memref<100000x128xf32, #tpu.memory_space<hbm>> -> memref<100000x128xf32, #tpu.memory_space<hbm>>
      tpu.enqueue_indirect_dma source(%dma_start3A_23 : memref<100000x128xf32, #tpu.memory_space<hbm>>) target(%dma_start3A_17 : memref<128x128xf32, #tpu.memory_space<vmem>>) offsets(%dma_start3A_20 : memref<128xi32, #tpu.memory_space<vmem>>) semaphore(%arg7 : memref<!tpu.dma_semaphore, #tpu.memory_space<semaphore_mem>>)
      %mul3A_24 = arith.constant 5 : i32
      %mul3A_25 = arith.muli %scan3A_8, %mul3A_24 : i32
      %add3A_26 = arith.constant 1 : i32
      %add3A_27 = arith.addi %mul3A_25, %add3A_26 : i32
      %dma_start3A_28 = arith.constant 128 : i32
      %dma_start3A_29 = arith.constant 0 : i32
      %dma_start3A_30 = tpu.memref_slice %arg6[%dma_start3A_28, %dma_start3A_29] : memref<640x128xf32, #tpu.memory_space<vmem>> -> memref<128x128xf32, #tpu.memory_space<vmem>>
      %dma_start3A_31 = arith.constant 0 : i32
      %dma_start3A_32 = tpu.memref_slice %arg5[%add3A_27, %dma_start3A_31] : memref<50x128xi32, #tpu.memory_space<vmem>> -> memref<1x128xi32, #tpu.memory_space<vmem>>
      %dma_start3A_33 = tpu.memref_squeeze %dma_start3A_32 : memref<1x128xi32, #tpu.memory_space<vmem>> -> memref<128xi32, #tpu.memory_space<vmem>>
      %dma_start3A_34 = arith.constant 0 : i32
      %dma_start3A_35 = arith.constant 0 : i32
      %dma_start3A_36 = tpu.memref_slice %arg2[%dma_start3A_34, %dma_start3A_35] : memref<100000x128xf32, #tpu.memory_space<hbm>> -> memref<100000x128xf32, #tpu.memory_space<hbm>>
      tpu.enqueue_indirect_dma source(%dma_start3A_36 : memref<100000x128xf32, #tpu.memory_space<hbm>>) target(%dma_start3A_30 : memref<128x128xf32, #tpu.memory_space<vmem>>) offsets(%dma_start3A_33 : memref<128xi32, #tpu.memory_space<vmem>>) semaphore(%arg7 : memref<!tpu.dma_semaphore, #tpu.memory_space<semaphore_mem>>)
      %mul3A_37 = arith.constant 5 : i32
      %mul3A_38 = arith.muli %scan3A_8, %mul3A_37 : i32
      %add3A_39 = arith.constant 2 : i32
      %add3A_40 = arith.addi %mul3A_38, %add3A_39 : i32
      %dma_start3A_41 = arith.constant 256 : i32
      %dma_start3A_42 = arith.constant 0 : i32
      %dma_start3A_43 = tpu.memref_slice %arg6[%dma_start3A_41, %dma_start3A_42] : memref<640x128xf32, #tpu.memory_space<vmem>> -> memref<128x128xf32, #tpu.memory_space<vmem>>
      %dma_start3A_44 = arith.constant 0 : i32
      %dma_start3A_45 = tpu.memref_slice %arg5[%add3A_40, %dma_start3A_44] : memref<50x128xi32, #tpu.memory_space<vmem>> -> memref<1x128xi32, #tpu.memory_space<vmem>>
      %dma_start3A_46 = tpu.memref_squeeze %dma_start3A_45 : memref<1x128xi32, #tpu.memory_space<vmem>> -> memref<128xi32, #tpu.memory_space<vmem>>
      %dma_start3A_47 = arith.constant 0 : i32
      %dma_start3A_48 = arith.constant 0 : i32
      %dma_start3A_49 = tpu.memref_slice %arg2[%dma_start3A_47, %dma_start3A_48] : memref<100000x128xf32, #tpu.memory_space<hbm>> -> memref<100000x128xf32, #tpu.memory_space<hbm>>
      tpu.enqueue_indirect_dma source(%dma_start3A_49 : memref<100000x128xf32, #tpu.memory_space<hbm>>) target(%dma_start3A_43 : memref<128x128xf32, #tpu.memory_space<vmem>>) offsets(%dma_start3A_46 : memref<128xi32, #tpu.memory_space<vmem>>) semaphore(%arg7 : memref<!tpu.dma_semaphore, #tpu.memory_space<semaphore_mem>>)
      %mul3A_50 = arith.constant 5 : i32
      %mul3A_51 = arith.muli %scan3A_8, %mul3A_50 : i32
      %add3A_52 = arith.constant 3 : i32
      %add3A_53 = arith.addi %mul3A_51, %add3A_52 : i32
      %dma_start3A_54 = arith.constant 384 : i32
      %dma_start3A_55 = arith.constant 0 : i32
      %dma_start3A_56 = tpu.memref_slice %arg6[%dma_start3A_54, %dma_start3A_55] : memref<640x128xf32, #tpu.memory_space<vmem>> -> memref<128x128xf32, #tpu.memory_space<vmem>>
      %dma_start3A_57 = arith.constant 0 : i32
      %dma_start3A_58 = tpu.memref_slice %arg5[%add3A_53, %dma_start3A_57] : memref<50x128xi32, #tpu.memory_space<vmem>> -> memref<1x128xi32, #tpu.memory_space<vmem>>
      %dma_start3A_59 = tpu.memref_squeeze %dma_start3A_58 : memref<1x128xi32, #tpu.memory_space<vmem>> -> memref<128xi32, #tpu.memory_space<vmem>>
      %dma_start3A_60 = arith.constant 0 : i32
      %dma_start3A_61 = arith.constant 0 : i32
      %dma_start3A_62 = tpu.memref_slice %arg2[%dma_start3A_60, %dma_start3A_61] : memref<100000x128xf32, #tpu.memory_space<hbm>> -> memref<100000x128xf32, #tpu.memory_space<hbm>>
      tpu.enqueue_indirect_dma source(%dma_start3A_62 : memref<100000x128xf32, #tpu.memory_space<hbm>>) target(%dma_start3A_56 : memref<128x128xf32, #tpu.memory_space<vmem>>) offsets(%dma_start3A_59 : memref<128xi32, #tpu.memory_space<vmem>>) semaphore(%arg7 : memref<!tpu.dma_semaphore, #tpu.memory_space<semaphore_mem>>)
      %mul3A_63 = arith.constant 5 : i32
      %mul3A_64 = arith.muli %scan3A_8, %mul3A_63 : i32
      %add3A_65 = arith.constant 4 : i32
      %add3A_66 = arith.addi %mul3A_64, %add3A_65 : i32
      %dma_start3A_67 = arith.constant 512 : i32
      %dma_start3A_68 = arith.constant 0 : i32
      %dma_start3A_69 = tpu.memref_slice %arg6[%dma_start3A_67, %dma_start3A_68] : memref<640x128xf32, #tpu.memory_space<vmem>> -> memref<128x128xf32, #tpu.memory_space<vmem>>
      %dma_start3A_70 = arith.constant 0 : i32
      %dma_start3A_71 = tpu.memref_slice %arg5[%add3A_66, %dma_start3A_70] : memref<50x128xi32, #tpu.memory_space<vmem>> -> memref<1x128xi32, #tpu.memory_space<vmem>>
      %dma_start3A_72 = tpu.memref_squeeze %dma_start3A_71 : memref<1x128xi32, #tpu.memory_space<vmem>> -> memref<128xi32, #tpu.memory_space<vmem>>
      %dma_start3A_73 = arith.constant 0 : i32
      %dma_start3A_74 = arith.constant 0 : i32
      %dma_start3A_75 = tpu.memref_slice %arg2[%dma_start3A_73, %dma_start3A_74] : memref<100000x128xf32, #tpu.memory_space<hbm>> -> memref<100000x128xf32, #tpu.memory_space<hbm>>
      tpu.enqueue_indirect_dma source(%dma_start3A_75 : memref<100000x128xf32, #tpu.memory_space<hbm>>) target(%dma_start3A_69 : memref<128x128xf32, #tpu.memory_space<vmem>>) offsets(%dma_start3A_72 : memref<128xi32, #tpu.memory_space<vmem>>) semaphore(%arg7 : memref<!tpu.dma_semaphore, #tpu.memory_space<semaphore_mem>>)
      %dma_wait3A = arith.constant 0 : i32
      %dma_wait3A_76 = arith.constant 0 : i32
      %dma_wait3A_77 = tpu.memref_slice %arg6[%dma_wait3A, %dma_wait3A_76] : memref<640x128xf32, #tpu.memory_space<vmem>> -> memref<128x128xf32, #tpu.memory_space<vmem>>
      %dma_wait3A_78 = arith.constant 0 : i32
      %dma_wait3A_79 = tpu.memref_slice %arg5[%add3A_15, %dma_wait3A_78] : memref<50x128xi32, #tpu.memory_space<vmem>> -> memref<1x128xi32, #tpu.memory_space<vmem>>
      %dma_wait3A_80 = tpu.memref_squeeze %dma_wait3A_79 : memref<1x128xi32, #tpu.memory_space<vmem>> -> memref<128xi32, #tpu.memory_space<vmem>>
      %dma_wait3A_81 = arith.constant 0 : i32
      %dma_wait3A_82 = arith.constant 0 : i32
      %dma_wait3A_83 = tpu.memref_slice %arg2[%dma_wait3A_81, %dma_wait3A_82] : memref<100000x128xf32, #tpu.memory_space<hbm>> -> memref<100000x128xf32, #tpu.memory_space<hbm>>
      tpu.wait_indirect_dma semaphore(%arg7 : memref<!tpu.dma_semaphore, #tpu.memory_space<semaphore_mem>>) src(%dma_wait3A_83 : memref<100000x128xf32, #tpu.memory_space<hbm>>) dst(%dma_wait3A_77 : memref<128x128xf32, #tpu.memory_space<vmem>>)
      %dma_wait3A_84 = arith.constant 128 : i32
      %dma_wait3A_85 = arith.constant 0 : i32
      %dma_wait3A_86 = tpu.memref_slice %arg6[%dma_wait3A_84, %dma_wait3A_85] : memref<640x128xf32, #tpu.memory_space<vmem>> -> memref<128x128xf32, #tpu.memory_space<vmem>>
      %dma_wait3A_87 = arith.constant 0 : i32
      %dma_wait3A_88 = tpu.memref_slice %arg5[%add3A_27, %dma_wait3A_87] : memref<50x128xi32, #tpu.memory_space<vmem>> -> memref<1x128xi32, #tpu.memory_space<vmem>>
      %dma_wait3A_89 = tpu.memref_squeeze %dma_wait3A_88 : memref<1x128xi32, #tpu.memory_space<vmem>> -> memref<128xi32, #tpu.memory_space<vmem>>
      %dma_wait3A_90 = arith.constant 0 : i32
      %dma_wait3A_91 = arith.constant 0 : i32
      %dma_wait3A_92 = tpu.memref_slice %arg2[%dma_wait3A_90, %dma_wait3A_91] : memref<100000x128xf32, #tpu.memory_space<hbm>> -> memref<100000x128xf32, #tpu.memory_space<hbm>>
      tpu.wait_indirect_dma semaphore(%arg7 : memref<!tpu.dma_semaphore, #tpu.memory_space<semaphore_mem>>) src(%dma_wait3A_92 : memref<100000x128xf32, #tpu.memory_space<hbm>>) dst(%dma_wait3A_86 : memref<128x128xf32, #tpu.memory_space<vmem>>)
      %dma_wait3A_93 = arith.constant 256 : i32
      %dma_wait3A_94 = arith.constant 0 : i32
      %dma_wait3A_95 = tpu.memref_slice %arg6[%dma_wait3A_93, %dma_wait3A_94] : memref<640x128xf32, #tpu.memory_space<vmem>> -> memref<128x128xf32, #tpu.memory_space<vmem>>
      %dma_wait3A_96 = arith.constant 0 : i32
      %dma_wait3A_97 = tpu.memref_slice %arg5[%add3A_40, %dma_wait3A_96] : memref<50x128xi32, #tpu.memory_space<vmem>> -> memref<1x128xi32, #tpu.memory_space<vmem>>
      %dma_wait3A_98 = tpu.memref_squeeze %dma_wait3A_97 : memref<1x128xi32, #tpu.memory_space<vmem>> -> memref<128xi32, #tpu.memory_space<vmem>>
      %dma_wait3A_99 = arith.constant 0 : i32
      %dma_wait3A_100 = arith.constant 0 : i32
      %dma_wait3A_101 = tpu.memref_slice %arg2[%dma_wait3A_99, %dma_wait3A_100] : memref<100000x128xf32, #tpu.memory_space<hbm>> -> memref<100000x128xf32, #tpu.memory_space<hbm>>
      tpu.wait_indirect_dma semaphore(%arg7 : memref<!tpu.dma_semaphore, #tpu.memory_space<semaphore_mem>>) src(%dma_wait3A_101 : memref<100000x128xf32, #tpu.memory_space<hbm>>) dst(%dma_wait3A_95 : memref<128x128xf32, #tpu.memory_space<vmem>>)
      %dma_wait3A_102 = arith.constant 384 : i32
      %dma_wait3A_103 = arith.constant 0 : i32
      %dma_wait3A_104 = tpu.memref_slice %arg6[%dma_wait3A_102, %dma_wait3A_103] : memref<640x128xf32, #tpu.memory_space<vmem>> -> memref<128x128xf32, #tpu.memory_space<vmem>>
      %dma_wait3A_105 = arith.constant 0 : i32
      %dma_wait3A_106 = tpu.memref_slice %arg5[%add3A_53, %dma_wait3A_105] : memref<50x128xi32, #tpu.memory_space<vmem>> -> memref<1x128xi32, #tpu.memory_space<vmem>>
      %dma_wait3A_107 = tpu.memref_squeeze %dma_wait3A_106 : memref<1x128xi32, #tpu.memory_space<vmem>> -> memref<128xi32, #tpu.memory_space<vmem>>
      %dma_wait3A_108 = arith.constant 0 : i32
      %dma_wait3A_109 = arith.constant 0 : i32
      %dma_wait3A_110 = tpu.memref_slice %arg2[%dma_wait3A_108, %dma_wait3A_109] : memref<100000x128xf32, #tpu.memory_space<hbm>> -> memref<100000x128xf32, #tpu.memory_space<hbm>>
      tpu.wait_indirect_dma semaphore(%arg7 : memref<!tpu.dma_semaphore, #tpu.memory_space<semaphore_mem>>) src(%dma_wait3A_110 : memref<100000x128xf32, #tpu.memory_space<hbm>>) dst(%dma_wait3A_104 : memref<128x128xf32, #tpu.memory_space<vmem>>)
      %dma_wait3A_111 = arith.constant 512 : i32
      %dma_wait3A_112 = arith.constant 0 : i32
      %dma_wait3A_113 = tpu.memref_slice %arg6[%dma_wait3A_111, %dma_wait3A_112] : memref<640x128xf32, #tpu.memory_space<vmem>> -> memref<128x128xf32, #tpu.memory_space<vmem>>
      %dma_wait3A_114 = arith.constant 0 : i32
      %dma_wait3A_115 = tpu.memref_slice %arg5[%add3A_66, %dma_wait3A_114] : memref<50x128xi32, #tpu.memory_space<vmem>> -> memref<1x128xi32, #tpu.memory_space<vmem>>
      %dma_wait3A_116 = tpu.memref_squeeze %dma_wait3A_115 : memref<1x128xi32, #tpu.memory_space<vmem>> -> memref<128xi32, #tpu.memory_space<vmem>>
      %dma_wait3A_117 = arith.constant 0 : i32
      %dma_wait3A_118 = arith.constant 0 : i32
      %dma_wait3A_119 = tpu.memref_slice %arg2[%dma_wait3A_117, %dma_wait3A_118] : memref<100000x128xf32, #tpu.memory_space<hbm>> -> memref<100000x128xf32, #tpu.memory_space<hbm>>
      tpu.wait_indirect_dma semaphore(%arg7 : memref<!tpu.dma_semaphore, #tpu.memory_space<semaphore_mem>>) src(%dma_wait3A_119 : memref<100000x128xf32, #tpu.memory_space<hbm>>) dst(%dma_wait3A_113 : memref<128x128xf32, #tpu.memory_space<vmem>>)
      "tpu.region"() ({
        %run_scoped3A = tpu.sem_alloc : memref<!tpu.dma_semaphore, #tpu.memory_space<semaphore_mem>>
        %dma_start3A_120 = arith.constant 0 : i32
        %dma_start3A_121 = tpu.memref_slice %arg4[%add3A_11, %dma_start3A_120] : memref<204800x128xf32, #tpu.memory_space<hbm>> -> memref<640x128xf32, #tpu.memory_space<hbm>>
        %dma_start3A_122 = arith.constant 0 : i32
        %dma_start3A_123 = tpu.memref_slice %arg4[%add3A_11, %dma_start3A_122] : memref<204800x128xf32, #tpu.memory_space<hbm>> -> memref<640x128xf32, #tpu.memory_space<hbm>>
        tpu.enqueue_dma source(%arg6 : memref<640x128xf32, #tpu.memory_space<vmem>>) target(%dma_start3A_123 : memref<640x128xf32, #tpu.memory_space<hbm>>) target_semaphore(%run_scoped3A : memref<!tpu.dma_semaphore, #tpu.memory_space<semaphore_mem>>)
        %dma_wait3A_124 = arith.constant 0 : i32
        %dma_wait3A_125 = tpu.memref_slice %arg4[%add3A_11, %dma_wait3A_124] : memref<204800x128xf32, #tpu.memory_space<hbm>> -> memref<640x128xf32, #tpu.memory_space<hbm>>
        %dma_wait3A_126 = arith.constant 0 : i32
        %dma_wait3A_127 = tpu.memref_slice %arg4[%add3A_11, %dma_wait3A_126] : memref<204800x128xf32, #tpu.memory_space<hbm>> -> memref<640x128xf32, #tpu.memory_space<hbm>>
        tpu.wait_dma2 semaphore(%run_scoped3A : memref<!tpu.dma_semaphore, #tpu.memory_space<semaphore_mem>>) src(%arg6 : memref<640x128xf32, #tpu.memory_space<vmem>>) dst(%dma_wait3A_127 : memref<640x128xf32, #tpu.memory_space<hbm>>)
        tpu.yield
      }) : () -> ()
    }
    %scan3A_7 = arith.constant 10 : i32
    return
  }
}

module attributes {stable_mosaic.version = 14 : i64} {
  func.func @_pad_body(%arg0: i32, %arg1: memref<10000x64xf32, #tpu.memory_space<vmem>>, %arg2: memref<10000x128xf32, #tpu.memory_space<vmem>>) attributes {dimension_semantics = [#tpu.dimension_semantics<arbitrary>], iteration_bounds = array<i64: 10>, scalar_prefetch = 0 : i64, scratch_operands = 0 : i64, tpu.core_type = #tpu.core_type<tc>, window_params = [{transform_indices = @transform_0, window_bounds = array<i64: 10000, 64>}, {transform_indices = @transform_1, window_bounds = array<i64: 10000, 128>}]} {
    %get3A = arith.constant 0 : index
    %get3A_0 = arith.constant 0 : index
    %get3A_1 = vector.load %arg1[%get3A, %get3A_0] : memref<10000x64xf32, #tpu.memory_space<vmem>>, vector<10000x64xf32>
    %broadcast_in_dim3A = arith.constant 0.000000e+00 : f32
    %broadcast_in_dim3A_2 = vector.broadcast %broadcast_in_dim3A : f32 to vector<10000x64xf32>
    %concatenate3A = tpu.concatenate %get3A_1, %broadcast_in_dim3A_2 in 1 : vector<10000x64xf32>, vector<10000x64xf32> -> vector<10000x128xf32>
    %swap3A = arith.constant 0 : index
    %swap3A_3 = arith.constant 0 : index
    %swap3A_4 = vector.load %arg2[%swap3A, %swap3A_3] : memref<10000x128xf32, #tpu.memory_space<vmem>>, vector<10000x128xf32>
    tpu.vector_store %arg2[%swap3A, %swap3A_3], %concatenate3A {strides = array<i32>} : memref<10000x128xf32, #tpu.memory_space<vmem>>, vector<10000x128xf32>,
    return
  }
  func.func @transform_0(%arg0: i32) -> (i32, i32) {
    %c0_i32 = arith.constant 0 : i32
    %c0_i32_0 = arith.constant 0 : i32
    return %arg0, %c0_i32 : i32, i32
  }
  func.func @transform_1(%arg0: i32) -> (i32, i32) {
    %c0_i32 = arith.constant 0 : i32
    %c0_i32_0 = arith.constant 0 : i32
    return %arg0, %c0_i32 : i32, i32
  }
}

module attributes {stable_mosaic.version = 14 : i64} {
  func.func @_sigma_body(%arg0: i32, %arg1: memref<10000x1xf32, #tpu.memory_space<vmem>>, %arg2: memref<10000x64xf32, #tpu.memory_space<vmem>>, %arg3: memref<1x1xf32, #tpu.memory_space<smem>>, %arg4: memref<1x64xf32, #tpu.memory_space<vmem>>, %arg5: memref<64x64xf32, #tpu.memory_space<vmem>>) attributes {dimension_semantics = [#tpu.dimension_semantics<arbitrary>], iteration_bounds = array<i64: 10>, scalar_prefetch = 0 : i64, scratch_operands = 2 : i64, tpu.core_type = #tpu.core_type<tc>, window_params = [{transform_indices = @transform_0, window_bounds = array<i64: 10000, 1>}, {transform_indices = @transform_1, window_bounds = array<i64: 10000, 64>}, {transform_indices = @transform_2, window_bounds = array<i64: 1, 1>}]} {
    %eq3A = arith.constant 0 : i32
    %eq3A_0 = arith.cmpi eq, %arg0, %eq3A : i32
    %convert_element_type3A = arith.extui %eq3A_0 : i1 to i32
    %cond3A = arith.constant 0 : i32
    %cond3A_1 = arith.cmpi ne, %convert_element_type3A, %cond3A : i32
    scf.if %cond3A_1 {
      %broadcast_in_dim3A_27 = arith.constant 0.000000e+00 : f32
      %broadcast_in_dim3A_28 = vector.broadcast %broadcast_in_dim3A_27 : f32 to vector<1x64xf32>
      %swap3A_29 = arith.constant 0 : index
      %swap3A_30 = arith.constant 0 : index
      %swap3A_31 = vector.load %arg4[%swap3A_29, %swap3A_30] : memref<1x64xf32, #tpu.memory_space<vmem>>, vector<1x64xf32>
      tpu.vector_store %arg4[%swap3A_29, %swap3A_30], %broadcast_in_dim3A_28 {strides = array<i32>} : memref<1x64xf32, #tpu.memory_space<vmem>>, vector<1x64xf32>,
      %broadcast_in_dim3A_32 = arith.constant 0.000000e+00 : f32
      %broadcast_in_dim3A_33 = vector.broadcast %broadcast_in_dim3A_32 : f32 to vector<64x64xf32>
      %swap3A_34 = arith.constant 0 : index
      %swap3A_35 = arith.constant 0 : index
      %swap3A_36 = vector.load %arg5[%swap3A_34, %swap3A_35] : memref<64x64xf32, #tpu.memory_space<vmem>>, vector<64x64xf32>
      tpu.vector_store %arg5[%swap3A_34, %swap3A_35], %broadcast_in_dim3A_33 {strides = array<i32>} : memref<64x64xf32, #tpu.memory_space<vmem>>, vector<64x64xf32>,
    } else {
    }
    %get3A = arith.constant 0 : index
    %get3A_2 = arith.constant 0 : index
    %get3A_3 = vector.load %arg2[%get3A, %get3A_2] : memref<10000x64xf32, #tpu.memory_space<vmem>>, vector<10000x64xf32>
    %get3A_4 = arith.constant 0 : index
    %get3A_5 = arith.constant 0 : index
    %get3A_6 = vector.load %arg1[%get3A_4, %get3A_5] : memref<10000x1xf32, #tpu.memory_space<vmem>>, vector<10000x1xf32>
    %get3A_7 = arith.constant 0 : index
    %get3A_8 = arith.constant 0 : index
    %get3A_9 = vector.load %arg4[%get3A_7, %get3A_8] : memref<1x64xf32, #tpu.memory_space<vmem>>, vector<1x64xf32>
    %mul3A = vector.broadcast %get3A_6 : vector<10000x1xf32> to vector<10000x64xf32>
    %mul3A_10 = arith.mulf %get3A_3, %mul3A : vector<10000x64xf32>
    %reduce_sum3A = arith.constant dense<0.000000e+00> : vector<64xf32>
    %reduce_sum3A_11 = vector.multi_reduction <add>, %mul3A_10, %reduce_sum3A [0] : vector<10000x64xf32> to vector<64xf32>
    %broadcast_in_dim3A = vector.shape_cast %reduce_sum3A_11 : vector<64xf32> to vector<1x64xf32>
    %add3A = arith.addf %get3A_9, %broadcast_in_dim3A : vector<1x64xf32>
    %swap3A = arith.constant 0 : index
    %swap3A_12 = arith.constant 0 : index
    %swap3A_13 = vector.load %arg4[%swap3A, %swap3A_12] : memref<1x64xf32, #tpu.memory_space<vmem>>, vector<1x64xf32>
    tpu.vector_store %arg4[%swap3A, %swap3A_12], %add3A {strides = array<i32>} : memref<1x64xf32, #tpu.memory_space<vmem>>, vector<1x64xf32>,
    %get3A_14 = arith.constant 0 : index
    %get3A_15 = arith.constant 0 : index
    %get3A_16 = vector.load %arg5[%get3A_14, %get3A_15] : memref<64x64xf32, #tpu.memory_space<vmem>>, vector<64x64xf32>
    %dot_general3A = arith.constant dense<0.000000e+00> : vector<64x64xf32>
    %dot_general3A_17 = tpu.matmul %get3A_3, %get3A_3, %dot_general3A {dimension_numbers = #tpu.dot_dimension_numbers<[0], [0], [1], [1], [0, 1, 1, 1], [], []>, precision = #tpu.contract_precision<fp32>, transpose_lhs_hint = false} : vector<10000x64xf32>, vector<10000x64xf32>, vector<64x64xf32> -> vector<64x64xf32>
    %add3A_18 = arith.addf %get3A_16, %dot_general3A_17 : vector<64x64xf32>
    %swap3A_19 = arith.constant 0 : index
    %swap3A_20 = arith.constant 0 : index
    %swap3A_21 = vector.load %arg5[%swap3A_19, %swap3A_20] : memref<64x64xf32, #tpu.memory_space<vmem>>, vector<64x64xf32>
    tpu.vector_store %arg5[%swap3A_19, %swap3A_20], %add3A_18 {strides = array<i32>} : memref<64x64xf32, #tpu.memory_space<vmem>>, vector<64x64xf32>,
    %eq3A_22 = arith.constant 9 : i32
    %eq3A_23 = arith.cmpi eq, %arg0, %eq3A_22 : i32
    %convert_element_type3A_24 = arith.extui %eq3A_23 : i1 to i32
    %cond3A_25 = arith.constant 0 : i32
    %cond3A_26 = arith.cmpi ne, %convert_element_type3A_24, %cond3A_25 : i32
    scf.if %cond3A_26 {
      %get3A_27 = arith.constant 0 : index
      %get3A_28 = arith.constant 0 : index
      %get3A_29 = vector.load %arg4[%get3A_27, %get3A_28] : memref<1x64xf32, #tpu.memory_space<vmem>>, vector<1x64xf32>
      %get3A_30 = arith.constant 0 : index
      %get3A_31 = arith.constant 0 : index
      %get3A_32 = vector.load %arg5[%get3A_30, %get3A_31] : memref<64x64xf32, #tpu.memory_space<vmem>>, vector<64x64xf32>
      %mul3A_33 = arith.mulf %get3A_29, %get3A_29 : vector<1x64xf32>
      %reduce_sum3A_34 = vector.shape_cast %mul3A_33 : vector<1x64xf32> to vector<1x1x64xf32>
      %reduce_sum3A_35 = arith.constant dense<0.000000e+00> : vector<1xf32>
      %reduce_sum3A_36 = vector.multi_reduction <add>, %reduce_sum3A_34, %reduce_sum3A_35 [1, 2] : vector<1x1x64xf32> to vector<1xf32>
      %reduce_sum3A_37 = vector.shape_cast %reduce_sum3A_36 : vector<1xf32> to vector<1x1x1xf32>
      %reduce_sum3A_38 = vector.extract %reduce_sum3A_37[0, 0, 0] : f32 from vector<1x1x1xf32>
      %sqrt3A = math.sqrt %reduce_sum3A_38 : f32
      %add3A_39 = arith.constant 9.99999996E-13 : f32
      %add3A_40 = arith.addf %sqrt3A, %add3A_39 : f32
      %div3A = vector.broadcast %add3A_40 : f32 to vector<1x64xf32>
      %div3A_41 = arith.divf %get3A_29, %div3A : vector<1x64xf32>
      %dot_general3A_42 = arith.constant dense<0.000000e+00> : vector<1x64xf32>
      %dot_general3A_43 = tpu.matmul %div3A_41, %get3A_32, %dot_general3A_42 {dimension_numbers = #tpu.dot_dimension_numbers<[1], [0], [0], [1], [0, 0, 1, 1], [], []>, precision = #tpu.contract_precision<fp32>, transpose_lhs_hint = false} : vector<1x64xf32>, vector<64x64xf32>, vector<1x64xf32> -> vector<1x64xf32>
      %squeeze3A = vector.shape_cast %div3A_41 : vector<1x64xf32> to vector<64xf32>
      %broadcast_in_dim3A_44 = vector.shape_cast %squeeze3A : vector<64xf32> to vector<1x64xf32>
      %mul3A_45 = arith.mulf %dot_general3A_43, %broadcast_in_dim3A_44 : vector<1x64xf32>
      %reduce_sum3A_46 = vector.shape_cast %mul3A_45 : vector<1x64xf32> to vector<1x1x64xf32>
      %reduce_sum3A_47 = arith.constant dense<0.000000e+00> : vector<1xf32>
      %reduce_sum3A_48 = vector.multi_reduction <add>, %reduce_sum3A_46, %reduce_sum3A_47 [1, 2] : vector<1x1x64xf32> to vector<1xf32>
      %reduce_sum3A_49 = vector.shape_cast %reduce_sum3A_48 : vector<1xf32> to vector<1x1x1xf32>
      %reduce_sum3A_50 = vector.extract %reduce_sum3A_49[0, 0, 0] : f32 from vector<1x1x1xf32>
      %sqrt3A_51 = math.sqrt %reduce_sum3A_50 : f32
      %div3A_52 = arith.constant 1.000000e+00 : f32
      %div3A_53 = arith.divf %div3A_52, %sqrt3A_51 : f32
      %swap3A_54 = arith.constant 0 : index
      %swap3A_55 = arith.constant 0 : index
      %swap3A_56 = memref.load %arg3[%swap3A_54, %swap3A_55] : memref<1x1xf32, #tpu.memory_space<smem>>
      memref.store %div3A_53, %arg3[%swap3A_54, %swap3A_55] : memref<1x1xf32, #tpu.memory_space<smem>>
    } else {
    }
    return
  }
  func.func @transform_0(%arg0: i32) -> (i32, i32) {
    %c0_i32 = arith.constant 0 : i32
    %c0_i32_0 = arith.constant 0 : i32
    return %arg0, %c0_i32 : i32, i32
  }
  func.func @transform_1(%arg0: i32) -> (i32, i32) {
    %c0_i32 = arith.constant 0 : i32
    %c0_i32_0 = arith.constant 0 : i32
    return %arg0, %c0_i32 : i32, i32
  }
  func.func @transform_2(%arg0: i32) -> (i32, i32) {
    %c0_i32 = arith.constant 0 : i32
    %c0_i32_0 = arith.constant 0 : i32
    %c0_i32_1 = arith.constant 0 : i32
    return %c0_i32, %c0_i32_0 : i32, i32
  }
}

module attributes {stable_mosaic.version = 14 : i64} {
  func.func @_slice_body(%arg0: i32, %arg1: memref<1x1xf32, #tpu.memory_space<smem>>, %arg2: memref<6400x128xf32, #tpu.memory_space<vmem>>, %arg3: memref<6400x64xf32, #tpu.memory_space<vmem>>) attributes {dimension_semantics = [#tpu.dimension_semantics<arbitrary>], iteration_bounds = array<i64: 32>, scalar_prefetch = 0 : i64, scratch_operands = 0 : i64, tpu.core_type = #tpu.core_type<tc>, window_params = [{transform_indices = @transform_0, window_bounds = array<i64: 1, 1>}, {transform_indices = @transform_1, window_bounds = array<i64: 6400, 128>}, {transform_indices = @transform_2, window_bounds = array<i64: 6400, 64>}]} {
    %get3A = arith.constant 0 : index
    %get3A_0 = arith.constant 0 : index
    %get3A_1 = vector.load %arg2[%get3A, %get3A_0] : memref<6400x128xf32, #tpu.memory_space<vmem>>, vector<6400x64xf32>
    %get3A_2 = arith.constant 0 : index
    %get3A_3 = arith.constant 0 : index
    %get3A_4 = memref.load %arg1[%get3A_2, %get3A_3] : memref<1x1xf32, #tpu.memory_space<smem>>
    %mul3A = vector.broadcast %get3A_4 : f32 to vector<6400x64xf32>
    %mul3A_5 = arith.mulf %get3A_1, %mul3A : vector<6400x64xf32>
    %swap3A = arith.constant 0 : index
    %swap3A_6 = arith.constant 0 : index
    %swap3A_7 = vector.load %arg3[%swap3A, %swap3A_6] : memref<6400x64xf32, #tpu.memory_space<vmem>>, vector<6400x64xf32>
    tpu.vector_store %arg3[%swap3A, %swap3A_6], %mul3A_5 {strides = array<i32>} : memref<6400x64xf32, #tpu.memory_space<vmem>>, vector<6400x64xf32>,
    return
  }
  func.func @transform_0(%arg0: i32) -> (i32, i32) {
    %c0_i32 = arith.constant 0 : i32
    %c0_i32_0 = arith.constant 0 : i32
    %c0_i32_1 = arith.constant 0 : i32
    return %c0_i32, %c0_i32_0 : i32, i32
  }
  func.func @transform_1(%arg0: i32) -> (i32, i32) {
    %c0_i32 = arith.constant 0 : i32
    %c0_i32_0 = arith.constant 0 : i32
    return %arg0, %c0_i32 : i32, i32
  }
  func.func @transform_2(%arg0: i32) -> (i32, i32) {
    %c0_i32 = arith.constant 0 : i32
    %c0_i32_0 = arith.constant 0 : i32
    return %arg0, %c0_i32 : i32, i32
  }
}

</mosaic_0001>

<sc_bundles>
// kernel: kernel.6.cloned.1.call-start
scs
__scs_entry_jumppad:
0x0: {  	(pc) =	sbr.rel $0x88, $3  }
0x1: {  	(tag) =	ssettag $0x0;
	lr =	simm.s32 $0x1  }
0x2: {  	[smem:$0x3F9E] =	sst lr;
	_ =	strace $0xD0000000  }
0x3: {  	_ = 	snop  }
0x4: {  	_ = 	snop  }
0x5: {  	_ = 	snop  }
0x6: {  	_ = 	snop  }
0x7: {  	_ = 	snop  }
__scs_overlays_trampoline_lowered:
0x8: {  	[smem:$0x3FAD] =	sst s0  }
0x9: {  	[smem:$0x3FAE] =	sst s1  }
0xa: {  	[smem:$0x3FAF] =	sst s2  }
0xb: {  	[smem:$0x3FB0] =	sst s3  }
0xc: {  	[smem:$0x3FB1] =	sst s4  }
0xd: {  	[smem:$0x3FB2] =	sst s5  }
0xe: {  	[smem:$0x3FB3] =	sst s6  }
0xf: {  	[smem:$0x3FB4] =	sst s7  }
0x10: {  	[smem:$0x3FB5] =	sst s8  }
0x11: {  	[smem:$0x3FB6] =	sst s9;
	s0 =	simm.s32 @!p0 $0x0  }
0x12: {  	s1 =	sld [smem:$0x3F9C];
	s0 =	simm.s32 @p0 $0x1  }
0x13: {  	[smem:$0x3FB7] =	sst s0;
	s0 =	simm.s32 @!p1 $0x0  }
0x14: {  	s2 =	sld [smem:$0x3F9B];
	s0 =	simm.s32 @p1 $0x1  }
0x15: {  	[smem:$0x3FB8] =	sst s0;
	s0 =	simm.s32 @!p2 $0x0  }
0x16: {  	s3 =	sld [smem:$0x3FDB];
	s0 =	simm.s32 @p2 $0x1  }
0x17: {  	s4 =	simm.s32 $0x1BF5;
	[smem:$0x3FBA] =	sst s0  }
0x18: {  	s0 =	sld [smem:$0x3F9D];
	_ =	swait.ge [sflag:s4], $0x0  }
0x19: {  	s7 =	sld [smem:$0x3F9E]  }
0x1a: {  	s8 =	sadd.s32 $0xFFFFE003, lr  }
0x1b: {  	s9 =	sadd.s32 $0xFFFFFEF7, lr;
	s5 =	simm.s32 $0xFFFFFFFF;
	p2 =	slt.u32 s8, $0xFFFFF086  }
0x1c: {  	p1 =	slt.u32 s9, $0xF7A;
	s5 =	simm.s32 @!p2 $0x0  }
0x1d: {  	s5 =	simm.s32 @p1 $0x1;
	p0 =	seq.s32 s7, s2  }
0x1e: {  	s7 =	smul.u32 @!p0 $0xF7A, s2;
	p2 =	seq.s32 @!p0 s5, $0x0  }
0x1f: {  	s9 =	smul.u32 $0xF7A, s1;
	s8 =	simm.s32 @!p0 $0x1BF5;
	p2 =	por !p2, p0  }
0x20: {  	[sflag:s8] =	ssyncset.s32 @!p0 $0xFFFFF086;
	s6 =	sadd.s32 @!p0 s3, s7;
	s7 =	simm.s32 @!p0 $0x108  }
0x21: {  	s3 =	sadd.s32 s3, s9;
	s6 =	sadd.s32 @!p0 $0x88, s6;
	s7 =	simm.s32 @p2 $0x1082  }
0x22: {  	[simem:s7], [sflag:s8] =	dma.local @!p0 [hbm:s6], $0xF7A  }
0x23: {  	s9 =	sor.u32 $0xD0000000, s2;
	s6 =	simm.s32 $0x108;
	_ =	swait.ge @!p0 [sflag:s8], $0x0  }
0x24: {  	s3 =	sadd.s32 $0x88, s3;
	s6 =	simm.s32 @!p1 $0x1082;
	[sflag:s4] =	ssyncset.s32 $0xFFFFF086  }
0x25: {  	[simem:s6], [sflag:s4] =	dma.local [hbm:s3], $0xF7A  }
0x26: {  	[smem:$0x3F9E] =	sst s1;
	(tag) =	ssettag s2;
	_ =	strace s9  }
0x27: {  	s1 =	sld [smem:$0x3FAE]  }
0x28: {  	s2 =	sld [smem:$0x3FAF]  }
0x29: {  	s4 =	sld [smem:$0x3FB1]  }
0x2a: {  	p0 =	seq.s32 s5, $0x0;
	s5 =	sld [smem:$0x3FB2]  }
0x2b: {  	s6 =	sld [smem:$0x3FB3]  }
0x2c: {  	s7 =	sld [smem:$0x3FB4]  }
0x2d: {  	s3 =	simm.s32 $0x108;
	s8 =	sld [smem:$0x3FB5]  }
0x2e: {  	s3 =	simm.s32 @!p0 $0x1082;
	s9 =	sld [smem:$0x3FB6]  }
0x2f: {  	lr =	sadd.s32 s0, s3;
	s0 =	sld [smem:$0x3FAD]  }
0x30: {  	s3 =	sld [smem:$0x3FB0]  }
0x31: {  	[smem:$0x3FB9] =	sst s10  }
0x32: {  	s10 =	sld [smem:$0x3FB7];
	_ =	sdelay $0x3  }
0x33: {  	p0 =	seq.s32 s10, $0x1;
	s10 =	sld [smem:$0x3FB9];
	_ =	sdelay $0x3  }
0x34: {  	[smem:$0x3FB9] =	sst s10  }
0x35: {  	s10 =	sld [smem:$0x3FB8];
	_ =	sdelay $0x3  }
0x36: {  	p1 =	seq.s32 s10, $0x1;
	s10 =	sld [smem:$0x3FB9];
	_ =	sdelay $0x3  }
0x37: {  	[smem:$0x3FB9] =	sst s10  }
0x38: {  	s10 =	sld [smem:$0x3FBA]  }
0x39: {  	_ = 	snop;
	(pc) =	sbr.ind lr, $3  }
0x3a: {  	_ = 	snop  }
0x3b: {  	_ = 	snop  }
0x3c: {  	p2 =	seq.s32 s10, $0x1;
	s10 =	sld [smem:$0x3FB9]  }
0x3d: {  	_ =	shalt  }
0x3e: {  	_ =	shalt  }
0x3f: {  	_ =	shalt  }
0x40: {  	_ =	shalt  }
0x41: {  	_ =	shalt  }
0x42: {  	_ =	shalt  }
0x43: {  	_ =	shalt  }
0x44: {  	_ =	shalt  }
0x45: {  	_ =	shalt  }
0x46: {  	_ =	shalt  }
0x47: {  	_ =	shalt  }
0x48: {  	_ =	shalt  }
0x49: {  	_ =	shalt  }
0x4a: {  	_ =	shalt  }
0x4b: {  	_ =	shalt  }
0x4c: {  	_ =	shalt  }
0x4d: {  	_ =	shalt  }
0x4e: {  	_ =	shalt  }
0x4f: {  	_ =	shalt  }
0x50: {  	_ =	shalt  }
0x51: {  	_ =	shalt  }
0x52: {  	_ =	shalt  }
0x53: {  	_ =	shalt  }
0x54: {  	_ =	shalt  }
0x55: {  	_ =	shalt  }
0x56: {  	_ =	shalt  }
0x57: {  	_ =	shalt  }
0x58: {  	_ =	shalt  }
0x59: {  	_ =	shalt  }
0x5a: {  	_ =	shalt  }
0x5b: {  	_ =	shalt  }
0x5c: {  	_ =	shalt  }
0x5d: {  	_ =	shalt  }
0x5e: {  	_ =	shalt  }
0x5f: {  	_ =	shalt  }
0x60: {  	_ =	shalt  }
0x61: {  	_ =	shalt  }
0x62: {  	_ =	shalt  }
0x63: {  	_ =	shalt  }
0x64: {  	_ =	shalt  }
0x65: {  	_ =	shalt  }
0x66: {  	_ =	shalt  }
0x67: {  	_ =	shalt  }
0x68: {  	_ =	shalt  }
0x69: {  	_ =	shalt  }
0x6a: {  	_ =	shalt  }
0x6b: {  	_ =	shalt  }
0x6c: {  	_ =	shalt  }
0x6d: {  	_ =	shalt  }
0x6e: {  	_ =	shalt  }
0x6f: {  	_ =	shalt  }
0x70: {  	_ =	shalt  }
0x71: {  	_ =	shalt  }
0x72: {  	_ =	shalt  }
0x73: {  	_ =	shalt  }
0x74: {  	_ =	shalt  }
0x75: {  	_ =	shalt  }
0x76: {  	_ =	shalt  }
0x77: {  	_ =	shalt  }
0x78: {  	_ =	shalt  }
0x79: {  	_ =	shalt  }
0x7a: {  	_ =	shalt  }
0x7b: {  	_ =	shalt  }
0x7c: {  	_ =	shalt  }
0x7d: {  	_ =	shalt  }
0x7e: {  	_ =	shalt  }
0x7f: {  	_ =	shalt  }
0x80: {  	_ =	shalt  }
0x81: {  	_ =	shalt  }
0x82: {  	_ =	shalt  }
0x83: {  	_ =	shalt  }
0x84: {  	_ =	shalt  }
0x85: {  	_ =	shalt  }
0x86: {  	_ =	shalt  }
0x87: {  	_ =	shalt  }
.Lfunc_end0:
.L_simem_size_0:
called_computation.1_lowered:
.L_overlay_start_0:
0x88: {  	s2 =	sld [smem:$0x3FD9]  }
0x89: {  	s3 =	sld [smem:$0x3FFE];
	_ =	sdelay $0x1  }
0x8a: {  	s1 =	srdreg.scid  }
0x8b: {  	s0 =	sand.u32 $0x1, s1  }
0x8c: {  	s16 =	sshll.u32 s0, $0xA;
	s2 =	sadd.s32 s3, s2  }
0x8d: {  	s2 =	sadd.s32 s2, s16  }
0x8e: {  	[smem:$0x3FC5] =	sst s2  }
0x8f: {  	_ = 	snop  }
0x90: {  	(tm) =	ssettm $0x1  }
0x91: {  	s17 =	sld [smem:$0x3FFB];
	_ =	sdelay $0x3  }
0x92: {  	_ =	strace s17  }
0x93: {  	s2 =	sld [smem:$0x3FFC];
	_ =	sdelay $0x3  }
0x94: {  	_ =	strace s2  }
0x95: {  	s2 =	sld [smem:$0x3FFD];
	_ =	sdelay $0x3  }
0x96: {  	_ =	strace s2  }
0x97: {  	_ =	strace $0x8FFFFFFF  }
0x98: {  	s18 =	sld [smem:$0x3FDB];
	_ =	sdelay $0x1  }
0x99: {  	s19 =	simm.s32 $_scs_section_size  }
0x9a: {  	s4 =	simm.s32 $_size__tile_overlayer_lowered;
	s5 =	simm.s32 $_tile_overlayer_lowered  }
0x9b: {  	s22 =	simm.s32 $0x1BFF;
	s21 =	sshll.u32 s5, $0x1;
	s2 =	sadd.s32 s19, s18  }
0x9c: {  	s6 =	simm.s32 $0x0;
	s20 =	sshll.u32 s4, $0x1;
	s4 =	sadd.s32 s21, s2  }
0x9d: {  	[timem:s6], [sflag:s22] =	dma.local [hbm:s4], s20  }
0x9e: {  	_ =	swait.ge [sflag:s22], s20  }
0x9f: {  	s3 =	ssub.s32 $0x0, s20;
	[sflag:s22] =	ssyncset.done $0x0  }
0xa0: {  	[sflag:s22] =	ssyncadd.s32 s3;
	_ =	sdelay $0x1  }
0xa1: {  	s23 =	simm.s32 $0x1B8B  }
0xa2: {  	_ =	swait.ge [sflag:s23], $0x1  }
0xa3: {  	[sflag:s23] =	ssyncset.done $0x0  }
0xa4: {  	s25 =	simm.s32 $0x1B8E;
	s24 =	sld [smem:$0x3FFE];
	[sflag:s23] =	ssyncadd.s32 $0xFFFFFFFF  }
0xa5: {  	s26 =	simm.s32 $execute0_lowered;
	[smem:$0x3FD2] =	sst s25  }
0xa6: {  	s4 =	sshll.u32 s26, $0x1;
	_ =	strace $0x80000046;
	[dreg:$0x1] =	wrdreg $0xFFFFFFFF  }
0xa7: {  	s28 =	simm.s32 $_size_execute0_lowered;
	s2 =	sadd.s32 s2, s4;
	[dreg:$0x0] =	wrdreg $0x0  }
0xa8: {  	s4 =	sshll.u32 s28, $0x1;
	[dreg:$0x2] =	wrdreg s2  }
0xa9: {  	[dreg:$0x3] =	wrdreg s4  }
0xaa: {  	[dreg:$0x4] =	wrdreg $0xC0  }
0xab: {  	_ =	task [dreg:s6], $0x5FFFF  }
0xac: {  	[dreg:$0x1] =	wrdreg $0xFFFFFFFF  }
0xad: {  	[dreg:$0x0] =	wrdreg $0x60  }
0xae: {  	[dreg:$0x2] =	wrdreg s24  }
0xaf: {  	[dreg:$0x3] =	wrdreg $0x9  }
0xb0: {  	_ =	task.clear_ibuf [dreg:s6], $0x4FFFF;
	_ =	strace $0x90000046  }
0xb1: {  	s29 =	simm.s32 $0x9;
	_ =	strace $0x80000048  }
0xb2: {  	_ =	swait.ge [sflag:s29], $0x1  }
0xb3: {  	[sflag:s29] =	ssyncadd.s32 $0xFFFFFFFF  }
0xb4: {  	_ =	strace $0x90000048  }
0xb5: {  	_ =	sfence  }
0xb6: {  	s30 =	sld [smem:$0x0];
	_ =	sdelay $0x2  }
0xb7: {  	s31 =	sshll.u32 s1, $0xD;
	s1 =	sshrl.u32 s1, $0x2  }
0xb8: {  	s3 =	sand.u32 $0x4000, s31;
	s1 =	sadd.s32 s1, s30  }
0xb9: {  	s0 =	sor.u32 s3, s0;
	s1 =	sshll.u32 s1, $0x11  }
0xba: {  	s0 =	sor.u32 s1, s0  }
0xbb: {  	s0 =	sadd.s32 $0x8F2B, s0  }
0xbc: {  	[sflag:s0] =	ssyncadd.remote.s32 $0x1  }
0xbd: {  	_ =	sfence.sel $0xFFFF  }
0xbe: {  	[dreg:$0x0] =	wrdreg $0xFFFFFFFF;
	(pc) =	sbr.abs _section_cstart, $3  }
0xbf: {  	[dreg:$0x1] =	wrdreg $0xFFFFFFFF  }
0xc0: {  	_ =	task.clear_ibuf [dreg:s6], $0x2FFFF;
	_ =	strace $0x9FFFFFFF  }
0xc1: {  	(tm) =	ssettm $0x7FFFFFFF  }
tec
execute0_lowered:
.L_overlay_start_1:
0x0: {  	(tag) =	ssettag $0x1  }
0x1: {  	s1 =	srdreg.scid;
	s0 =	stileid.u32  }
0x2: {  	s4 =	rddreg [dreg:$0x0];
	s2 =	simm.s32 $0x0;
	s10 =	simm.s32 $0x5C00  }
0x3: {  	s11 =	simm.s32 $0x9C00;
	s12 =	simm.s32 $0xDC00;
	s13 =	simm.s32 $0x11C00  }
0x4: {  	s14 =	simm.s32 $0x1;
	s3 =	sand.u32 $0x1, s1;
	s1 =	rddreg [dreg:$0x1]  }
0x5: {  	s15 =	simm.s32 $0x0;
	s30 =	sshll.u32 s0, $0x1;
	[smem:$0x7FF] =	sst s2  }
0x6: {  	s6 =	smul.u32 $0x32000, s0;
	s5 =	sor.u32 s3, s30;
	_ =	strace $0x80000047  }
0x7: {  	s7 =	ssub.s32 $0x2, s3;
	s8 =	smul.u32 $0x19000, s3;
	s3 =	sadd.s32 $0x18E400, s4  }
0x8: {  	s5 =	smul.u32 $0x380, s5;
	s6 =	sadd.s32 s6, s4;
	s9 =	sshrl.u32 s7, $0x1  }
0x9: {  	s31 =	ssub.s32 s7, s9;
	s6 =	sadd.s32 s8, s6;
	s7 =	simm.s32 $0x2  }
0xa: {  	s8 =	simm.s32 $0x80;
	s9 =	simm.s32 $0x1C00;
	s4 =	sadd.s32 s5, s4  }
0xb: {  	s5 =	smax.u32 s31, $0x1;
	s6 =	sadd.s32 $0x314E00, s6;
	s4 =	sadd.s32 $0xA00, s4  }
.LBB2_1:
0xc: {  	[tilespmem:s2], [sflag:$0x2] =	stream.linear.gather [hbm4b:s4+s2], $0x1900, $0x38;
	[tilespmem:$0x15C00] =	vst v63  }
0xd: {  	_ =	swait.ge [sflag:s7], $0x1900  }
0xe: {  	[sflag:s7] =	ssyncset.done $0x0  }
0xf: {  	s16 =	simm.s32 $0x0;
	[sflag:s7] =	ssyncadd.s32 $0xFFFFE700  }
0x10: {  	[tilespmem:s9], [sflag:$0x1] =	stream.indirect.gather [hbm4b:s3+s8], $0x80, s16, s8, $0xb8;
	[tilespmem:$0x15C00] =	vst v63  }
0x11: {  	s28 =	simm.s32 $0x80  }
0x12: {  	[tilespmem:s10], [sflag:$0x1] =	stream.indirect.gather [hbm4b:s3+s8], $0x80, s28, s8, $0xb8;
	[tilespmem:$0x15C00] =	vst v63  }
0x13: {  	s29 =	simm.s32 $0x100  }
0x14: {  	[tilespmem:s11], [sflag:$0x1] =	stream.indirect.gather [hbm4b:s3+s8], $0x80, s29, s8, $0xb8;
	[tilespmem:$0x15C00] =	vst v63  }
0x15: {  	s30 =	simm.s32 $0x180  }
0x16: {  	[tilespmem:s12], [sflag:$0x1] =	stream.indirect.gather [hbm4b:s3+s8], $0x80, s30, s8, $0xb8;
	[tilespmem:$0x15C00] =	vst v63  }
0x17: {  	s31 =	simm.s32 $0x200  }
0x18: {  	[tilespmem:s13], [sflag:$0x1] =	stream.indirect.gather [hbm4b:s3+s8], $0x80, s31, s8, $0xb8;
	[tilespmem:$0x15C00] =	vst v63  }
0x19: {  	_ =	swait.ge [sflag:s14], $0x4000  }
0x1a: {  	[sflag:s14] =	ssyncset.done $0x0  }
0x1b: {  	[sflag:s14] =	ssyncadd.s32 $0xFFFFC000  }
0x1c: {  	_ =	swait.ge [sflag:s14], $0x4000  }
0x1d: {  	[sflag:s14] =	ssyncset.done $0x0  }
0x1e: {  	[sflag:s14] =	ssyncadd.s32 $0xFFFFC000  }
0x1f: {  	_ =	swait.ge [sflag:s14], $0x4000  }
0x20: {  	[sflag:s14] =	ssyncset.done $0x0  }
0x21: {  	[sflag:s14] =	ssyncadd.s32 $0xFFFFC000  }
0x22: {  	_ =	swait.ge [sflag:s14], $0x4000  }
0x23: {  	[sflag:s14] =	ssyncset.done $0x0  }
0x24: {  	[sflag:s14] =	ssyncadd.s32 $0xFFFFC000  }
0x25: {  	_ =	swait.ge [sflag:s14], $0x4000  }
0x26: {  	[sflag:s14] =	ssyncset.done $0x0  }
0x27: {  	[sflag:s14] =	ssyncadd.s32 $0xFFFFC000  }
0x28: {  	[hbm4b:s6+s2] =	stream.linear.scatter [tilespmem:s9], [sflag:$0x2], $0x14000, $0x38;
	[tilespmem:$0x15C00] =	vst v63  }
0x29: {  	s17 =	simm.s32 $0xA00;
	_ =	swait.ge [sflag:s7], $0x14000  }
0x2a: {  	s18 =	simm.s32 $0x1400;
	s16 =	sadd.s32 $0x2800, s6;
	[sflag:s7] =	ssyncset.done $0x0  }
.LBB2_2:
0x2b: {  	s19 =	sshra.s32 s17, $0x2  }
0x2c: {  	[sflag:s7] =	ssyncadd.s32 $0xFFFEC000;
	s17 =	smov.u32 s18;
	s20 =	sadd.s32 $0xA00, s18  }
0x2d: {  	[tilespmem:s9], [sflag:$0x1] =	stream.indirect.gather [hbm4b:s3+s8], $0x80, s19, s8, $0xb8;
	[tilespmem:$0x15C00] =	vst v63  }
0x2e: {  	p0 =	sne.s32 s18, $0x5A00;
	s18 =	sadd.s32 $0x80, s19  }
0x2f: {  	[tilespmem:s10], [sflag:$0x1] =	stream.indirect.gather [hbm4b:s3+s8], $0x80, s18, s8, $0xb8;
	[tilespmem:$0x15C00] =	vst v63  }
0x30: {  	s18 =	sadd.s32 $0x100, s19  }
0x31: {  	[tilespmem:s11], [sflag:$0x1] =	stream.indirect.gather [hbm4b:s3+s8], $0x80, s18, s8, $0xb8;
	[tilespmem:$0x15C00] =	vst v63  }
0x32: {  	s18 =	sadd.s32 $0x180, s19  }
0x33: {  	[tilespmem:s12], [sflag:$0x1] =	stream.indirect.gather [hbm4b:s3+s8], $0x80, s18, s8, $0xb8;
	[tilespmem:$0x15C00] =	vst v63  }
0x34: {  	s18 =	sadd.s32 $0x200, s19  }
0x35: {  	[tilespmem:s13], [sflag:$0x1] =	stream.indirect.gather [hbm4b:s3+s8], $0x80, s18, s8, $0xb8;
	[tilespmem:$0x15C00] =	vst v63  }
0x36: {  	_ =	swait.ge [sflag:s14], $0x4000  }
0x37: {  	[sflag:s14] =	ssyncset.done $0x0  }
0x38: {  	[sflag:s14] =	ssyncadd.s32 $0xFFFFC000  }
0x39: {  	_ =	swait.ge [sflag:s14], $0x4000  }
0x3a: {  	[sflag:s14] =	ssyncset.done $0x0  }
0x3b: {  	[sflag:s14] =	ssyncadd.s32 $0xFFFFC000  }
0x3c: {  	_ =	swait.ge [sflag:s14], $0x4000  }
0x3d: {  	[sflag:s14] =	ssyncset.done $0x0  }
0x3e: {  	[sflag:s14] =	ssyncadd.s32 $0xFFFFC000  }
0x3f: {  	_ =	swait.ge [sflag:s14], $0x4000  }
0x40: {  	[sflag:s14] =	ssyncset.done $0x0  }
0x41: {  	[sflag:s14] =	ssyncadd.s32 $0xFFFFC000  }
0x42: {  	_ =	swait.ge [sflag:s14], $0x4000  }
.Ltmp0:
0x43: {  	[sflag:s14] =	ssyncset.done $0x0;
	(pc) =	sbr.rel @p0 .LBB2_2-.Ltmp0, $4  }
0x44: {  	[sflag:s14] =	ssyncadd.s32 $0xFFFFC000  }
0x45: {  	[hbm4b:s16+s2] =	stream.linear.scatter [tilespmem:s9], [sflag:$0x2], $0x14000, $0x38;
	[tilespmem:$0x15C00] =	vst v63  }
0x46: {  	_ =	swait.ge [sflag:s7], $0x14000  }
0x47: {  	s18 =	smov.u32 s20;
	s16 =	sadd.s32 $0x2800, s16;
	[sflag:s7] =	ssyncset.done $0x0  }
0x48: {  	s17 =	sshra.s32 s17, $0x2;
	[sflag:s7] =	ssyncadd.s32 $0xFFFEC000  }
0x49: {  	[tilespmem:s9], [sflag:$0x1] =	stream.indirect.gather [hbm4b:s3+s8], $0x80, s17, s8, $0xb8;
	[tilespmem:$0x15C00] =	vst v63  }
0x4a: {  	s18 =	sadd.s32 $0x80, s17  }
0x4b: {  	[tilespmem:s10], [sflag:$0x1] =	stream.indirect.gather [hbm4b:s3+s8], $0x80, s18, s8, $0xb8;
	[tilespmem:$0x15C00] =	vst v63  }
0x4c: {  	s30 =	sadd.s32 $0x100, s17  }
0x4d: {  	[tilespmem:s11], [sflag:$0x1] =	stream.indirect.gather [hbm4b:s3+s8], $0x80, s30, s8, $0xb8;
	[tilespmem:$0x15C00] =	vst v63  }
0x4e: {  	s31 =	sadd.s32 $0x180, s17  }
0x4f: {  	[tilespmem:s12], [sflag:$0x1] =	stream.indirect.gather [hbm4b:s3+s8], $0x80, s31, s8, $0xb8;
	[tilespmem:$0x15C00] =	vst v63  }
0x50: {  	s17 =	sadd.s32 $0x200, s17  }
0x51: {  	[tilespmem:s13], [sflag:$0x1] =	stream.indirect.gather [hbm4b:s3+s8], $0x80, s17, s8, $0xb8;
	[tilespmem:$0x15C00] =	vst v63  }
0x52: {  	_ =	swait.ge [sflag:s14], $0x4000  }
0x53: {  	[sflag:s14] =	ssyncset.done $0x0  }
0x54: {  	[sflag:s14] =	ssyncadd.s32 $0xFFFFC000  }
0x55: {  	_ =	swait.ge [sflag:s14], $0x4000  }
0x56: {  	[sflag:s14] =	ssyncset.done $0x0  }
0x57: {  	[sflag:s14] =	ssyncadd.s32 $0xFFFFC000  }
0x58: {  	_ =	swait.ge [sflag:s14], $0x4000  }
0x59: {  	[sflag:s14] =	ssyncset.done $0x0  }
0x5a: {  	[sflag:s14] =	ssyncadd.s32 $0xFFFFC000  }
0x5b: {  	_ =	swait.ge [sflag:s14], $0x4000  }
0x5c: {  	[sflag:s14] =	ssyncset.done $0x0  }
0x5d: {  	[sflag:s14] =	ssyncadd.s32 $0xFFFFC000  }
0x5e: {  	s15 =	sadd.s32 $0x1, s15;
	_ =	swait.ge [sflag:s14], $0x4000  }
0x5f: {  	p0 =	sne.s32 s15, s5;
	[sflag:s14] =	ssyncset.done $0x0  }
.Ltmp1:
0x60: {  	[sflag:s14] =	ssyncadd.s32 $0xFFFFC000;
	(pc) =	sbr.rel @p0 .LBB2_1-.Ltmp1, $4  }
0x61: {  	[hbm4b:s16+s2] =	stream.linear.scatter [tilespmem:s9], [sflag:$0x2], $0x14000, $0x38;
	[tilespmem:$0x15C00] =	vst v63  }
0x62: {  	_ =	swait.ge [sflag:s7], $0x14000  }
0x63: {  	[sflag:s7] =	ssyncset.done $0x0  }
0x64: {  	[sflag:s7] =	ssyncadd.s32 $0xFFFEC000  }
0x65: {  	_ =	sfence.sel $0x180000  }
0x66: {  	[bflag:$0x0] =	sbarrier.arrive $0xFFFF  }
0x67: {  	p0 =	sne.s32 s0, $0x0;
	_ =	strace $0x90000047  }
0x68: {  	s0 =	sadd.s32 @!p0 $0x100000, s1;
	[bflag:$0x2] =	sbarrier.arrive $0xFFFF  }
0x69: {  	[sflag:s0] =	ssyncadd.tile.s32 @!p0 $0x1;
	_ =	shalt  }
.Lfunc_end2:
_tile_overlayer_lowered:
.L_overlay_start_2:
0x6a: {  	(tag) =	ssettag $0x2  }
0x6b: {  	s0 =	rddreg [dreg:$0x0];
	s2 =	stileid.u32  }
0x6c: {  	s1 =	rddreg [dreg:$0x1];
	p0 =	sne.s32 s2, $0x0  }
0x6d: {  	s3 =	rddreg [dreg:$0x2];
	[bflag:$0x3] =	sbarrier.arrive $0xFFFF;
	s2 =	simm.s32 @!p0 $0x1C02  }
0x6e: {  	[timem:s3], [sflag:s2] =	dma.local @!p0 [hbm:s0], s1  }
0x6f: {  	s0 =	simm.s32 @!p0 $0x2  }
0x70: {  	_ =	swait.ge @!p0 [sflag:s0], s1  }
0x71: {  	s1 =	ssub.s32 @!p0 $0x0, s1;
	[sflag:s0] =	ssyncset.done @!p0 $0x0  }
0x72: {  	[sflag:s0] =	ssyncadd.s32 @!p0 s1  }
0x73: {  	[bflag:$0x3] =	sbarrier.arrive $0xFFFF  }
0x74: {  	_ =	shalt  }

// kernel: sparse-core-data-format-call.cloned.1.call-start
scs
called_computation_lowered:
.L_overlay_start_0:
0x0: {  	s2 =	sld [smem:$0x3FD9]  }
0x1: {  	s3 =	sld [smem:$0x3FFE];
	_ =	sdelay $0x1  }
0x2: {  	s1 =	srdreg.scid  }
0x3: {  	s0 =	sand.u32 $0x1, s1  }
0x4: {  	s18 =	sshll.u32 s0, $0xA;
	s2 =	sadd.s32 s3, s2  }
0x5: {  	s2 =	sadd.s32 s2, s18  }
0x6: {  	[smem:$0x3FC5] =	sst s2  }
0x7: {  	_ = 	snop  }
0x8: {  	s2 =	sld [smem:$0x3FD0];
	(tm) =	ssettm $0x1  }
0x9: {  	s19 =	sld [smem:$0x3FFB];
	_ =	sdelay $0x3  }
0xa: {  	_ =	strace s19  }
0xb: {  	s3 =	sld [smem:$0x3FFC];
	_ =	sdelay $0x3  }
0xc: {  	_ =	strace s3  }
0xd: {  	s3 =	sld [smem:$0x3FFD];
	_ =	sdelay $0x3  }
0xe: {  	_ =	strace s3  }
0xf: {  	_ =	strace $0x8FFFFFFF  }
0x10: {  	s20 =	sld [smem:$0x3FDB];
	_ =	sdelay $0x1  }
0x11: {  	s4 =	simm.s32 $_scs_section_size  }
0x12: {  	s5 =	simm.s32 $_size__tile_overlayer_lowered;
	s6 =	simm.s32 $_tile_overlayer_lowered  }
0x13: {  	s23 =	simm.s32 $0x1BFF;
	s22 =	sshll.u32 s6, $0x1;
	s3 =	sadd.s32 s4, s20  }
0x14: {  	s7 =	simm.s32 $0x0;
	s21 =	sshll.u32 s5, $0x1;
	s5 =	sadd.s32 s22, s3  }
0x15: {  	[timem:s7], [sflag:s23] =	dma.local [hbm:s5], s21  }
0x16: {  	_ =	swait.ge [sflag:s23], s21  }
0x17: {  	s4 =	ssub.s32 $0x0, s21;
	[sflag:s23] =	ssyncset.done $0x0  }
0x18: {  	[sflag:s23] =	ssyncadd.s32 s4;
	_ =	sdelay $0x1  }
0x19: {  	s24 =	simm.s32 $0x1B8B  }
0x1a: {  	_ =	swait.ge [sflag:s24], $0x1  }
0x1b: {  	[sflag:s24] =	ssyncset.done $0x0  }
0x1c: {  	s26 =	simm.s32 $0x1B8E;
	s25 =	sld [smem:$0x3FFE];
	[sflag:s24] =	ssyncadd.s32 $0xFFFFFFFF  }
0x1d: {  	s27 =	simm.s32 $execute0_lowered;
	[smem:$0x3FD2] =	sst s26  }
0x1e: {  	s5 =	sshll.u32 s27, $0x1;
	_ =	strace $0x80000049;
	[dreg:$0x1] =	wrdreg $0xFFFFFFFF  }
0x1f: {  	s28 =	simm.s32 $_size_execute0_lowered;
	s3 =	sadd.s32 s3, s5;
	[dreg:$0x0] =	wrdreg $0x0  }
0x20: {  	s5 =	sshll.u32 s28, $0x1;
	[dreg:$0x2] =	wrdreg s3  }
0x21: {  	[dreg:$0x3] =	wrdreg s5  }
0x22: {  	[dreg:$0x4] =	wrdreg $0xC0  }
0x23: {  	_ =	task [dreg:s7], $0x5FFFF  }
0x24: {  	[dreg:$0x1] =	wrdreg $0xFFFFFFFF  }
0x25: {  	[dreg:$0x0] =	wrdreg $0x60  }
0x26: {  	[dreg:$0x2] =	wrdreg s25  }
0x27: {  	[dreg:$0x3] =	wrdreg s2  }
0x28: {  	[dreg:$0x4] =	wrdreg $0x9  }
0x29: {  	_ =	task.clear_ibuf [dreg:s7], $0x5FFFF;
	_ =	strace $0x90000049  }
0x2a: {  	s29 =	simm.s32 $0x9;
	_ =	strace $0x8000004B  }
0x2b: {  	_ =	swait.ge [sflag:s29], $0x1  }
0x2c: {  	[sflag:s29] =	ssyncadd.s32 $0xFFFFFFFF  }
0x2d: {  	_ =	strace $0x9000004B  }
0x2e: {  	_ =	sfence  }
0x2f: {  	s30 =	sld [smem:$0x0];
	_ =	sdelay $0x2  }
0x30: {  	s31 =	sshll.u32 s1, $0xD;
	s1 =	sshrl.u32 s1, $0x2  }
0x31: {  	s3 =	sand.u32 $0x4000, s31;
	s1 =	sadd.s32 s1, s30  }
0x32: {  	s0 =	sor.u32 s3, s0;
	s1 =	sshll.u32 s1, $0x11  }
0x33: {  	s0 =	sor.u32 s1, s0  }
0x34: {  	s0 =	sadd.s32 $0x8F2B, s0  }
0x35: {  	[sflag:s0] =	ssyncadd.remote.s32 $0x1  }
0x36: {  	_ =	sfence.sel $0xFFFF  }
0x37: {  	[dreg:$0x0] =	wrdreg $0xFFFFFFFF;
	(pc) =	sbr.abs _section_cstart, $3  }
0x38: {  	[dreg:$0x1] =	wrdreg $0xFFFFFFFF  }
0x39: {  	_ =	task.clear_ibuf [dreg:s7], $0x2FFFF;
	_ =	strace $0x9FFFFFFF  }
0x3a: {  	(tm) =	ssettm $0x7FFFFFFF  }
0x3b: {  	_ =	shalt  }
tec
execute0_lowered:
.L_overlay_start_1:
0x0: {  	(tag) =	ssettag $0x1  }
0x1: {  	s0 =	srdreg.scid  }
0x2: {  	s1 =	sshll.u32 s0, $0x4  }
0x3: {  	s0 =	stileid.u32;
	s1 =	sand.u32 $0x10, s1  }
0x4: {  	s1 =	sor.u32 s0, s1  }
0x5: {  	s6 =	rddreg [dreg:$0x0];
	s4 =	simm.s32 $0x1;
	s2 =	sshll.u32 s1, $0x7  }
0x6: {  	s7 =	simm.s32 $0x2;
	s12 =	simm.s32 $0x0;
	s1 =	ssub.s32 $0x1000, s2  }
0x7: {  	s8 =	simm.s32 $0x8000;
	s13 =	simm.s32 $0x0;
	s3 =	sand.u32 $0xF80, s1  }
0x8: {  	s9 =	simm.s32 $0x0;
	s5 =	sshrl.u32 s1, $0xC;
	p0 =	sne.s32 s3, $0x0  }
.Ltmp0:
0x9: {  	s1 =	rddreg [dreg:$0x2];
	s4 =	simm.s32 @!p0 $0x0;
	(pc) =	sbr.rel .LBB1_1-.Ltmp0, $4  }
0xa: {  	s11 =	simm.s32 $0x0;
	s3 =	rddreg [dreg:$0x1];
	s5 =	sadd.s32 s4, s5  }
0xb: {  	_ =	strace $0x8000004A;
	s4 =	simm.s32 $0x1;
	s5 =	smul.u32 $0x32, s5  }
0xc: {  	s6 =	sadd.s32 $0xA00, s6;
	s10 =	smov.u32 s2;
	[sflag:s4] =	ssyncpa.u1 $0x0  }
0xd: {  	p0 =	por $0x0, $0x0;
	[sflag:s7] =	ssyncpa.u1 $0x0;
	s7 =	sor.u32 $0x1, s5  }
.LBB1_4:
0xe: {  	s16 =	sshll.u32 s13, $0x3;
	s17 =	sand.u32 $0x78, s13  }
0xf: {  	s30 =	sand.u32 $0x7E00, s13;
	s12 =	sshll.u32 s12, $0xF;
	s16 =	sand.u32 $0xC00, s16  }
0x10: {  	[tilespmem:s15+$0x810 ss:$0x81] =	vst.msk $0xffff, v2;
	s31 =	sand.u32 $0x7, s13;
	s16 =	sor.u32 s17, s16;
	s17 =	sadd.s32 s3, s30  }
0x11: {  	[tilespmem:s15+$0x1020 ss:$0x81] =	vst.msk $0xffff, v0;
	s13 =	sshll.u32 s31, $0x12;
	s12 =	sadd.s32 s12, s17;
	s16 =	sshrl.u32 s16, $0x3  }
0x12: {  	[tilespmem:s15+$0x0 ss:$0x81] =	vst.msk $0xffff, v1;
	s13 =	sor.u32 $0x400, s13;
	s12 =	sadd.s32 s16, s12  }
0x13: {  	[hbm4b:s12+s13] =	stream.strided.scatter [tilespmem:s14], [sflag:$0x2], $0x2000, s8, s13, $0x20;
	[tilespmem:$0x8080] =	vst v63  }
.LBB1_5:
0x14: {  	s14 =	sadd.s32 $0x1, s9  }
0x15: {  	s12 =	sadd.s32 $0x1000, s10;
	s16 =	smov.u32 s10;
	p2 =	sgt.s32 s14, $0x31  }
0x16: {  	s16 =	smov.u32 @p2 s12  }
0x17: {  	s14 =	simm.s32 @p2 $0x0;
	p2 =	sgt.s32 s16, $0xFFF  }
0x18: {  	s16 =	smov.u32 @p2 s2;
	p2 =	sne.s32 s11, s7  }
.Ltmp1:
0x19: {  	p1 =	slt.u32 s11, $0x2;
	(pc) =	sbr.rel @!p2 .LBB1_6-.Ltmp1, $4  }
0x1a: {  	s15 =	simm.s32 @!p1 $0x2  }
0x1b: {  	s13 =	smov.u32 s10;
	p0 =	por !p0, !p0;
	_ =	swait.ge @!p1 [sflag:s15], $0x2000  }
0x1c: {  	s12 =	smov.u32 s9;
	[sflag:s15] =	ssyncset.done @!p1 $0x0;
	s9 =	smov.u32 s14  }
0x1d: {  	s11 =	sadd.s32 $0x1, s11;
	[sflag:s15] =	ssyncadd.s32 @!p1 $0xFFFFE000;
	s10 =	smov.u32 s16  }
.LBB1_1:
0x1e: {  	p1 =	sge.u32 s11, s5  }
0x1f: {  	s14 =	sand.u32 @!p1 $0x1FFFFFF, s9  }
0x20: {  	s15 =	smulhi.u32 @!p1 $0x4924925, s14;
	_ =	sdelay $0x1  }
0x21: {  	s15 =	smul.u32 @!p1 $0x38, s15  }
0x22: {  	s16 =	sxor.u32 @!p1 $0xFFFFFFFF, s11;
	s17 =	smul.u32 @!p1 $0x380, s10  }
0x23: {  	s31 =	sadd.s32 $0xFFFFFFFF, s11;
	s16 =	sshll.u32 @!p1 s16, $0xD;
	s14 =	ssub.s32 @!p1 s14, s15  }
0x24: {  	s15 =	sand.u32 @!p1 $0x2000, s16;
	s16 =	sadd.s32 @!p1 s6, s17;
	s14 =	sshll.u32 @!p1 s14, $0x4  }
0x25: {  	s17 =	simm.s32 @!p1 $0x1C00;
	s14 =	sadd.s32 @!p1 s14, s16;
	s16 =	simm.s32 @!p1 $0x40  }
0x26: {  	[tilespmem:s15], [sflag:$0x1] =	stream.strided.gather @!p1 [hbm4b:s14+s16], $0x2000, s17, s16, $0x38;
	[tilespmem:$0x8080] =	vst v63  }
0x27: {  	p1 =	sge.u32 s31, s5  }
.Ltmp2:
0x28: {  	_ = 	snop;
	(pc) =	sbr.rel @p1 .LBB1_5-.Ltmp2, $1  }
0x29: {  	_ =	sdelay $0x3  }
0x2a: {  	s14 =	simm.s32 $0x1  }
0x2b: {  	_ =	swait.ge [sflag:s4], $0x2000;
	s14 =	simm.s32 @!p0 $0x0  }
0x2c: {  	[sflag:s4] =	ssyncset.done $0x0;
	s15 =	sshll.u32 s14, $0xD  }
0x2d: {  	[sflag:s4] =	ssyncadd.s32 $0xFFFFE000;
	s18 =	sor.u32 $0x20, s15  }
0x2e: {  	s14 =	smul.u32 $0x8100, s14;
	v3 =	vld [tilespmem:s18+$0x10]  }
0x2f: {  	s30 =	sand.u32 $0x1, s11;
	v2 =	vld [tilespmem:s18+$0xFFFFFFF0]  }
0x30: {  	s15 =	smul.u32 $0x8100, s30;
	s14 =	sshrl.u32 s14, $0x2;
	v0 =	vld [tilespmem:s18+$0x0]  }
0x31: {  	v1 =	vld [tilespmem:s18+$0xFFFFFFE0];
	s16 =	sor.u32 $0x4000, s14  }
0x32: {  	s31 =	sshrl.u32 s15, $0x2;
	s15 =	sadd.s32 $0x0, s16  }
0x33: {  	s17 =	simm.s32 $0x4;
	s18 =	sadd.s32 $0x40, s18;
	s14 =	sor.u32 $0x4000, s31;
	[tilespmem:s15+$0x1830 ss:$0x81] =	vst.msk $0xffff, v3  }
.LBB1_3:
0x34: {  	v3 =	vld [tilespmem:s18+$0x10];
	p1 =	sne.s32 s17, $0x1FC;
	[tilespmem:s15+$0x810 ss:$0x81] =	vst.msk $0xffff, v2;
	s19 =	smov.u32 s17;
	s17 =	sadd.s32 $0x4, s17  }
.Ltmp3:
0x35: {  	v2 =	vld [tilespmem:s18+$0xFFFFFFF0];
	[tilespmem:s15+$0x1020 ss:$0x81] =	vst.msk $0xffff, v0;
	(pc) =	sbr.rel @p1 .LBB1_3-.Ltmp3, $4  }
0x36: {  	v0 =	vld [tilespmem:s18+$0x0];
	[tilespmem:s15+$0x0 ss:$0x81] =	vst.msk $0xffff, v1  }
0x37: {  	s15 =	sshra.s32 s19, $0x2;
	v1 =	vld [tilespmem:s18+$0xFFFFFFE0]  }
0x38: {  	s15 =	sadd.s32 s15, s16  }
0x39: {  	s18 =	sadd.s32 $0x40, s18;
	[tilespmem:s15+$0x1830 ss:$0x81] =	vst.msk $0xffff, v3  }
.Ltmp4:
0x3a: {  	_ = 	snop;
	(pc) =	sbr.rel .LBB1_4-.Ltmp4, $1  }
0x3b: {  	_ =	sdelay $0x3  }
.LBB1_6:
0x3c: {  	_ =	sfence.sel $0x180000  }
0x3d: {  	s2 =	simm.s32 $0x1;
	[bflag:$0x0] =	sbarrier.arrive $0xFFFF  }
0x3e: {  	s31 =	simm.s32 $0x2;
	[sflag:s2] =	ssyncpa.u1 $0x1  }
0x3f: {  	[sflag:s31] =	ssyncpa.u1 $0x1  }
0x40: {  	p0 =	sne.s32 s0, $0x0;
	_ =	strace $0x9000004A  }
0x41: {  	s0 =	sadd.s32 @!p0 $0x100000, s1;
	[bflag:$0x2] =	sbarrier.arrive $0xFFFF  }
0x42: {  	[sflag:s0] =	ssyncadd.tile.s32 @!p0 $0x1;
	_ =	shalt  }
.Lfunc_end1:
_tile_overlayer_lowered:
.L_overlay_start_2:
0x43: {  	(tag) =	ssettag $0x2  }
0x44: {  	s0 =	rddreg [dreg:$0x0];
	s2 =	stileid.u32  }
0x45: {  	s1 =	rddreg [dreg:$0x1];
	p0 =	sne.s32 s2, $0x0  }
0x46: {  	s3 =	rddreg [dreg:$0x2];
	[bflag:$0x3] =	sbarrier.arrive $0xFFFF;
	s2 =	simm.s32 @!p0 $0x1C01  }
0x47: {  	[timem:s3], [sflag:s2] =	dma.local @!p0 [hbm:s0], s1  }
0x48: {  	s0 =	simm.s32 @!p0 $0x1  }
0x49: {  	_ =	swait.ge @!p0 [sflag:s0], s1  }
0x4a: {  	s1 =	ssub.s32 @!p0 $0x0, s1;
	[sflag:s0] =	ssyncset.done @!p0 $0x0  }
0x4b: {  	[sflag:s0] =	ssyncadd.s32 @!p0 s1  }
0x4c: {  	[bflag:$0x3] =	sbarrier.arrive $0xFFFF  }
0x4d: {  	_ =	shalt  }

</sc_bundles>
